<compile_context>
chip_gen: v7x
topology: tpu7x:2x2x1
jax: 0.10.2.dev20260603
libtpu: 0.0.44.dev20260713+nightly
codegen_flags: <defaults>
</compile_context>

<pallas_src>
import functools

import jax
import jax.numpy as jnp
from jax import lax
from jax.experimental import pallas as pl
from jax.experimental.pallas import tpu as pltpu
from jax.experimental.pallas import tpu_sc as plsc

_BETA = 0.25
_NE = 8192
_DIM = 256
_NROWS = 9216
_BR = 1024
_NBLK = _NROWS // _BR

_NW = 32
_BPW = _NROWS // _NW
_CH = 96
_NCH = _BPW // _CH


def _argmin_body(z_ref, et_ref, en_ref, idx_ref, dsum_ref):
    i = pl.program_id(0)
    z_blk = z_ref[...]
    s = jnp.dot(z_blk, et_ref[...],
                preferred_element_type=jnp.float32)
    zn = jnp.sum(z_blk * z_blk, axis=1, keepdims=True)
    d = (zn + en_ref[...]) - 2.0 * s
    m = jnp.min(d, axis=1, keepdims=True)
    ji = lax.broadcasted_iota(jnp.int32, d.shape, 1)
    idx = jnp.min(jnp.where(d == m, ji, _NE), axis=1)
    idx_ref[pl.ds(i, 1), :] = idx.reshape(1, _BR)

    @pl.when(i == 0)
    def _init():
        dsum_ref[0, 0] = 0.0

    dsum_ref[0, 0] += jnp.sum(m[:, 0])


_dist_argmin = pl.pallas_call(
    _argmin_body,
    grid=(_NBLK,),
    in_specs=[
        pl.BlockSpec((_BR, _DIM), lambda i: (i, 0)),
        pl.BlockSpec((_DIM, _NE), lambda i: (0, 0)),
        pl.BlockSpec((1, _NE), lambda i: (0, 0)),
    ],
    out_specs=[
        pl.BlockSpec((_NBLK, _BR), lambda i: (0, 0)),
        pl.BlockSpec(memory_space=pltpu.SMEM),
    ],
    out_shape=[
        jax.ShapeDtypeStruct((_NBLK, _BR), jnp.int32),
        jax.ShapeDtypeStruct((1, 1), jnp.float32),
    ],
)


_sc_mesh = plsc.VectorSubcoreMesh(core_axis_name="c", subcore_axis_name="s")


@functools.partial(
    pl.kernel,
    mesh=_sc_mesh,
    out_type=jax.ShapeDtypeStruct((_NROWS, _DIM), jnp.float32),
    scratch_types=[
        pltpu.VMEM((_NCH, _CH), jnp.int32),
        pltpu.VMEM((_BPW, _DIM), jnp.float32),
        pltpu.SemaphoreType.DMA,
    ],
)
def _gather_rows(table_hbm, idx_hbm, out_hbm, idx_v, rows_v, sem):
    wid = lax.axis_index("s") * 2 + lax.axis_index("c")
    base = wid * _BPW
    for j in range(_NCH):
        pltpu.sync_copy(idx_hbm.at[pl.ds(base + j * _CH, _CH)], idx_v.at[j])
    copies = [
        pltpu.async_copy(table_hbm.at[idx_v.at[j]],
                         rows_v.at[pl.ds(j * _CH, _CH)], sem)
        for j in range(_NCH)
    ]
    for c in copies:
        c.wait()
    pltpu.sync_copy(rows_v, out_hbm.at[pl.ds(base, _BPW)])


def kernel(z, embedding):
    z_flat = z.reshape(-1, _DIM)
    e_t = embedding.T
    en = jnp.sum(embedding ** 2, axis=1).reshape(1, _NE)
    idx2d, dsum = _dist_argmin(z_flat, e_t, en)
    idx = idx2d.reshape(-1)
    zq_flat = _gather_rows(embedding, idx)
    z_q = zq_flat.reshape(z.shape)
    z_q_out = jnp.transpose(z_q, (0, 3, 1, 2))
    diff = dsum[0, 0] * (_BETA / z.size)
    perplexity = jnp.float32(1.0)
    return (z_q_out, diff, idx, perplexity)

# --- scband reference (transcript-rebuilt; emitter-appended) ---
"""Pipeline reference for scband-emavector-quantizer-78176994722628 (READ-ONLY COPY).

The authoritative reference and input builder live on the scoring server;
editing this copy changes nothing except your own understanding.
"""

import jax, jax.numpy as jnp
import numpy as np

BETA = 0.25
N_EMBED = 8192
DIM = 256

def setup_inputs(seed: int = 0) -> dict:
    key = jax.random.key(seed)
    k1, k2 = jax.random.split(key)
    z = jax.random.normal(k1, (16, 24, 24, DIM), dtype=jnp.float32)
    embedding = jax.random.normal(k2, (N_EMBED, DIM), dtype=jnp.float32)
    return {"z": z, "embedding": embedding}

def reference(z, embedding):
    dim = embedding.shape[1]
    n_embed = embedding.shape[0]
    z_flat = z.reshape(-1, dim)
    d = (jnp.sum(z_flat ** 2, axis=1, keepdims=True)
         + jnp.sum(embedding ** 2, axis=1)
         - 2.0 * (z_flat @ embedding.T))
    min_encoding_indices = jnp.argmin(d, axis=1)
    z_q = jnp.take(embedding, min_encoding_indices, axis=0).reshape(z.shape)
    embed_onehot = jax.nn.one_hot(min_encoding_indices, n_embed, dtype=z_flat.dtype)
    diff = BETA * jnp.mean((jax.lax.stop_gradient(z_q) - z) ** 2)
    z_q_st = z + jax.lax.stop_gradient(z_q - z)
    z_q_out = jnp.transpose(z_q_st, (0, 3, 1, 2))
    perplexity = jnp.mean(jnp.exp(-jnp.sum(embed_onehot * jnp.log(embed_onehot + 1e-12), axis=1)))
    return (z_q_out, diff, min_encoding_indices, perplexity)

if __name__ == "__main__":
    import jax
    _d = setup_inputs()
    print(jax.jit(kernel)(*tuple(_d.values())))

</pallas_src>

<mosaic_0001>
#map = affine_map<(d0, d1) -> (0, 0)>
#map1 = affine_map<(d0, d1) -> (0)>
module attributes {stable_mosaic.version = 14 : i64} {
  func.func @_gather_rows(%arg0: i32, %arg1: i32, %arg2: memref<8192x256xf32, #tpu.memory_space<hbm>>, %arg3: memref<9216xi32, #tpu.memory_space<hbm>>, %arg4: memref<9216x256xf32, #tpu.memory_space<hbm>>, %arg5: memref<3x96xi32, #tpu.memory_space<vmem>>, %arg6: memref<288x256xf32, #tpu.memory_space<vmem>>, %arg7: memref<!tpu.dma_semaphore, #tpu.memory_space<semaphore_mem>>) attributes {dimension_semantics = [#tpu.dimension_semantics<core_parallel>, #tpu.dimension_semantics<subcore_parallel>], iteration_bounds = array<i64: 2, 16>, scalar_prefetch = 0 : i64, scratch_operands = 3 : i64, tpu.core_type = #tpu.core_type<sc_vector_subcore>, window_params = [{transform_indices = #map}, {transform_indices = #map1}, {transform_indices = #map}]} {
    %mul3A = arith.constant 2 : i32
    %mul3A_0 = arith.muli %arg1, %mul3A : i32
    %add3A = arith.addi %mul3A_0, %arg0 : i32
    %mul3A_1 = arith.constant 288 : i32
    %mul3A_2 = arith.muli %add3A, %mul3A_1 : i32
    %add3A_3 = arith.constant 0 : i32
    %add3A_4 = arith.addi %mul3A_2, %add3A_3 : i32
    %run_scoped3A = arith.constant 0 : i32
    "tpu.region"() ({
      %run_scoped3A_69 = tpu.sem_alloc : memref<!tpu.dma_semaphore, #tpu.memory_space<semaphore_mem>>
      %dma_start3A_70 = arith.constant 0 : i32
      %dma_start3A_71 = tpu.memref_slice %arg5[%run_scoped3A, %dma_start3A_70] : memref<3x96xi32, #tpu.memory_space<vmem>> -> memref<1x96xi32, #tpu.memory_space<vmem>>
      %dma_start3A_72 = tpu.memref_squeeze %dma_start3A_71 : memref<1x96xi32, #tpu.memory_space<vmem>> -> memref<96xi32, #tpu.memory_space<vmem>>
      %dma_start3A_73 = tpu.memref_slice %arg3[%add3A_4] : memref<9216xi32, #tpu.memory_space<hbm>> -> memref<96xi32, #tpu.memory_space<hbm>>
      %dma_start3A_74 = arith.constant 0 : i32
      %dma_start3A_75 = tpu.memref_slice %arg5[%run_scoped3A, %dma_start3A_74] : memref<3x96xi32, #tpu.memory_space<vmem>> -> memref<1x96xi32, #tpu.memory_space<vmem>>
      %dma_start3A_76 = tpu.memref_squeeze %dma_start3A_75 : memref<1x96xi32, #tpu.memory_space<vmem>> -> memref<96xi32, #tpu.memory_space<vmem>>
      %dma_start3A_77 = tpu.memref_slice %arg3[%add3A_4] : memref<9216xi32, #tpu.memory_space<hbm>> -> memref<96xi32, #tpu.memory_space<hbm>>
      tpu.enqueue_dma source(%dma_start3A_77 : memref<96xi32, #tpu.memory_space<hbm>>) target(%dma_start3A_76 : memref<96xi32, #tpu.memory_space<vmem>>) target_semaphore(%run_scoped3A_69 : memref<!tpu.dma_semaphore, #tpu.memory_space<semaphore_mem>>)
      %dma_wait3A_78 = arith.constant 0 : i32
      %dma_wait3A_79 = tpu.memref_slice %arg5[%run_scoped3A, %dma_wait3A_78] : memref<3x96xi32, #tpu.memory_space<vmem>> -> memref<1x96xi32, #tpu.memory_space<vmem>>
      %dma_wait3A_80 = tpu.memref_squeeze %dma_wait3A_79 : memref<1x96xi32, #tpu.memory_space<vmem>> -> memref<96xi32, #tpu.memory_space<vmem>>
      %dma_wait3A_81 = tpu.memref_slice %arg3[%add3A_4] : memref<9216xi32, #tpu.memory_space<hbm>> -> memref<96xi32, #tpu.memory_space<hbm>>
      %dma_wait3A_82 = arith.constant 0 : i32
      %dma_wait3A_83 = tpu.memref_slice %arg5[%run_scoped3A, %dma_wait3A_82] : memref<3x96xi32, #tpu.memory_space<vmem>> -> memref<1x96xi32, #tpu.memory_space<vmem>>
      %dma_wait3A_84 = tpu.memref_squeeze %dma_wait3A_83 : memref<1x96xi32, #tpu.memory_space<vmem>> -> memref<96xi32, #tpu.memory_space<vmem>>
      %dma_wait3A_85 = tpu.memref_slice %arg3[%add3A_4] : memref<9216xi32, #tpu.memory_space<hbm>> -> memref<96xi32, #tpu.memory_space<hbm>>
      tpu.wait_dma2 semaphore(%run_scoped3A_69 : memref<!tpu.dma_semaphore, #tpu.memory_space<semaphore_mem>>) src(%dma_wait3A_85 : memref<96xi32, #tpu.memory_space<hbm>>) dst(%dma_wait3A_84 : memref<96xi32, #tpu.memory_space<vmem>>)
      tpu.yield
    }) : () -> ()
    %add3A_5 = arith.constant 96 : i32
    %add3A_6 = arith.addi %mul3A_2, %add3A_5 : i32
    %run_scoped3A_7 = arith.constant 1 : i32
    "tpu.region"() ({
      %run_scoped3A_69 = tpu.sem_alloc : memref<!tpu.dma_semaphore, #tpu.memory_space<semaphore_mem>>
      %dma_start3A_70 = arith.constant 0 : i32
      %dma_start3A_71 = tpu.memref_slice %arg5[%run_scoped3A_7, %dma_start3A_70] : memref<3x96xi32, #tpu.memory_space<vmem>> -> memref<1x96xi32, #tpu.memory_space<vmem>>
      %dma_start3A_72 = tpu.memref_squeeze %dma_start3A_71 : memref<1x96xi32, #tpu.memory_space<vmem>> -> memref<96xi32, #tpu.memory_space<vmem>>
      %dma_start3A_73 = tpu.memref_slice %arg3[%add3A_6] : memref<9216xi32, #tpu.memory_space<hbm>> -> memref<96xi32, #tpu.memory_space<hbm>>
      %dma_start3A_74 = arith.constant 0 : i32
      %dma_start3A_75 = tpu.memref_slice %arg5[%run_scoped3A_7, %dma_start3A_74] : memref<3x96xi32, #tpu.memory_space<vmem>> -> memref<1x96xi32, #tpu.memory_space<vmem>>
      %dma_start3A_76 = tpu.memref_squeeze %dma_start3A_75 : memref<1x96xi32, #tpu.memory_space<vmem>> -> memref<96xi32, #tpu.memory_space<vmem>>
      %dma_start3A_77 = tpu.memref_slice %arg3[%add3A_6] : memref<9216xi32, #tpu.memory_space<hbm>> -> memref<96xi32, #tpu.memory_space<hbm>>
      tpu.enqueue_dma source(%dma_start3A_77 : memref<96xi32, #tpu.memory_space<hbm>>) target(%dma_start3A_76 : memref<96xi32, #tpu.memory_space<vmem>>) target_semaphore(%run_scoped3A_69 : memref<!tpu.dma_semaphore, #tpu.memory_space<semaphore_mem>>)
      %dma_wait3A_78 = arith.constant 0 : i32
      %dma_wait3A_79 = tpu.memref_slice %arg5[%run_scoped3A_7, %dma_wait3A_78] : memref<3x96xi32, #tpu.memory_space<vmem>> -> memref<1x96xi32, #tpu.memory_space<vmem>>
      %dma_wait3A_80 = tpu.memref_squeeze %dma_wait3A_79 : memref<1x96xi32, #tpu.memory_space<vmem>> -> memref<96xi32, #tpu.memory_space<vmem>>
      %dma_wait3A_81 = tpu.memref_slice %arg3[%add3A_6] : memref<9216xi32, #tpu.memory_space<hbm>> -> memref<96xi32, #tpu.memory_space<hbm>>
      %dma_wait3A_82 = arith.constant 0 : i32
      %dma_wait3A_83 = tpu.memref_slice %arg5[%run_scoped3A_7, %dma_wait3A_82] : memref<3x96xi32, #tpu.memory_space<vmem>> -> memref<1x96xi32, #tpu.memory_space<vmem>>
      %dma_wait3A_84 = tpu.memref_squeeze %dma_wait3A_83 : memref<1x96xi32, #tpu.memory_space<vmem>> -> memref<96xi32, #tpu.memory_space<vmem>>
      %dma_wait3A_85 = tpu.memref_slice %arg3[%add3A_6] : memref<9216xi32, #tpu.memory_space<hbm>> -> memref<96xi32, #tpu.memory_space<hbm>>
      tpu.wait_dma2 semaphore(%run_scoped3A_69 : memref<!tpu.dma_semaphore, #tpu.memory_space<semaphore_mem>>) src(%dma_wait3A_85 : memref<96xi32, #tpu.memory_space<hbm>>) dst(%dma_wait3A_84 : memref<96xi32, #tpu.memory_space<vmem>>)
      tpu.yield
    }) : () -> ()
    %add3A_8 = arith.constant 192 : i32
    %add3A_9 = arith.addi %mul3A_2, %add3A_8 : i32
    %run_scoped3A_10 = arith.constant 2 : i32
    "tpu.region"() ({
      %run_scoped3A_69 = tpu.sem_alloc : memref<!tpu.dma_semaphore, #tpu.memory_space<semaphore_mem>>
      %dma_start3A_70 = arith.constant 0 : i32
      %dma_start3A_71 = tpu.memref_slice %arg5[%run_scoped3A_10, %dma_start3A_70] : memref<3x96xi32, #tpu.memory_space<vmem>> -> memref<1x96xi32, #tpu.memory_space<vmem>>
      %dma_start3A_72 = tpu.memref_squeeze %dma_start3A_71 : memref<1x96xi32, #tpu.memory_space<vmem>> -> memref<96xi32, #tpu.memory_space<vmem>>
      %dma_start3A_73 = tpu.memref_slice %arg3[%add3A_9] : memref<9216xi32, #tpu.memory_space<hbm>> -> memref<96xi32, #tpu.memory_space<hbm>>
      %dma_start3A_74 = arith.constant 0 : i32
      %dma_start3A_75 = tpu.memref_slice %arg5[%run_scoped3A_10, %dma_start3A_74] : memref<3x96xi32, #tpu.memory_space<vmem>> -> memref<1x96xi32, #tpu.memory_space<vmem>>
      %dma_start3A_76 = tpu.memref_squeeze %dma_start3A_75 : memref<1x96xi32, #tpu.memory_space<vmem>> -> memref<96xi32, #tpu.memory_space<vmem>>
      %dma_start3A_77 = tpu.memref_slice %arg3[%add3A_9] : memref<9216xi32, #tpu.memory_space<hbm>> -> memref<96xi32, #tpu.memory_space<hbm>>
      tpu.enqueue_dma source(%dma_start3A_77 : memref<96xi32, #tpu.memory_space<hbm>>) target(%dma_start3A_76 : memref<96xi32, #tpu.memory_space<vmem>>) target_semaphore(%run_scoped3A_69 : memref<!tpu.dma_semaphore, #tpu.memory_space<semaphore_mem>>)
      %dma_wait3A_78 = arith.constant 0 : i32
      %dma_wait3A_79 = tpu.memref_slice %arg5[%run_scoped3A_10, %dma_wait3A_78] : memref<3x96xi32, #tpu.memory_space<vmem>> -> memref<1x96xi32, #tpu.memory_space<vmem>>
      %dma_wait3A_80 = tpu.memref_squeeze %dma_wait3A_79 : memref<1x96xi32, #tpu.memory_space<vmem>> -> memref<96xi32, #tpu.memory_space<vmem>>
      %dma_wait3A_81 = tpu.memref_slice %arg3[%add3A_9] : memref<9216xi32, #tpu.memory_space<hbm>> -> memref<96xi32, #tpu.memory_space<hbm>>
      %dma_wait3A_82 = arith.constant 0 : i32
      %dma_wait3A_83 = tpu.memref_slice %arg5[%run_scoped3A_10, %dma_wait3A_82] : memref<3x96xi32, #tpu.memory_space<vmem>> -> memref<1x96xi32, #tpu.memory_space<vmem>>
      %dma_wait3A_84 = tpu.memref_squeeze %dma_wait3A_83 : memref<1x96xi32, #tpu.memory_space<vmem>> -> memref<96xi32, #tpu.memory_space<vmem>>
      %dma_wait3A_85 = tpu.memref_slice %arg3[%add3A_9] : memref<9216xi32, #tpu.memory_space<hbm>> -> memref<96xi32, #tpu.memory_space<hbm>>
      tpu.wait_dma2 semaphore(%run_scoped3A_69 : memref<!tpu.dma_semaphore, #tpu.memory_space<semaphore_mem>>) src(%dma_wait3A_85 : memref<96xi32, #tpu.memory_space<hbm>>) dst(%dma_wait3A_84 : memref<96xi32, #tpu.memory_space<vmem>>)
      tpu.yield
    }) : () -> ()
    %dma_start3A = arith.constant 0 : i32
    %dma_start3A_11 = arith.constant 0 : i32
    %dma_start3A_12 = arith.constant 0 : i32
    %dma_start3A_13 = tpu.memref_slice %arg6[%dma_start3A_11, %dma_start3A_12] : memref<288x256xf32, #tpu.memory_space<vmem>> -> memref<96x256xf32, #tpu.memory_space<vmem>>
    %dma_start3A_14 = arith.constant 0 : i32
    %dma_start3A_15 = tpu.memref_slice %arg5[%dma_start3A, %dma_start3A_14] : memref<3x96xi32, #tpu.memory_space<vmem>> -> memref<1x96xi32, #tpu.memory_space<vmem>>
    %dma_start3A_16 = tpu.memref_squeeze %dma_start3A_15 : memref<1x96xi32, #tpu.memory_space<vmem>> -> memref<96xi32, #tpu.memory_space<vmem>>
    %dma_start3A_17 = arith.constant 0 : i32
    %dma_start3A_18 = arith.constant 0 : i32
    %dma_start3A_19 = tpu.memref_slice %arg2[%dma_start3A_17, %dma_start3A_18] : memref<8192x256xf32, #tpu.memory_space<hbm>> -> memref<8192x256xf32, #tpu.memory_space<hbm>>
    tpu.enqueue_indirect_dma source(%dma_start3A_19 : memref<8192x256xf32, #tpu.memory_space<hbm>>) target(%dma_start3A_13 : memref<96x256xf32, #tpu.memory_space<vmem>>) offsets(%dma_start3A_16 : memref<96xi32, #tpu.memory_space<vmem>>) semaphore(%arg7 : memref<!tpu.dma_semaphore, #tpu.memory_space<semaphore_mem>>)
    %dma_start3A_20 = arith.constant 1 : i32
    %dma_start3A_21 = arith.constant 96 : i32
    %dma_start3A_22 = arith.constant 0 : i32
    %dma_start3A_23 = tpu.memref_slice %arg6[%dma_start3A_21, %dma_start3A_22] : memref<288x256xf32, #tpu.memory_space<vmem>> -> memref<96x256xf32, #tpu.memory_space<vmem>>
    %dma_start3A_24 = arith.constant 0 : i32
    %dma_start3A_25 = tpu.memref_slice %arg5[%dma_start3A_20, %dma_start3A_24] : memref<3x96xi32, #tpu.memory_space<vmem>> -> memref<1x96xi32, #tpu.memory_space<vmem>>
    %dma_start3A_26 = tpu.memref_squeeze %dma_start3A_25 : memref<1x96xi32, #tpu.memory_space<vmem>> -> memref<96xi32, #tpu.memory_space<vmem>>
    %dma_start3A_27 = arith.constant 0 : i32
    %dma_start3A_28 = arith.constant 0 : i32
    %dma_start3A_29 = tpu.memref_slice %arg2[%dma_start3A_27, %dma_start3A_28] : memref<8192x256xf32, #tpu.memory_space<hbm>> -> memref<8192x256xf32, #tpu.memory_space<hbm>>
    tpu.enqueue_indirect_dma source(%dma_start3A_29 : memref<8192x256xf32, #tpu.memory_space<hbm>>) target(%dma_start3A_23 : memref<96x256xf32, #tpu.memory_space<vmem>>) offsets(%dma_start3A_26 : memref<96xi32, #tpu.memory_space<vmem>>) semaphore(%arg7 : memref<!tpu.dma_semaphore, #tpu.memory_space<semaphore_mem>>)
    %dma_start3A_30 = arith.constant 2 : i32
    %dma_start3A_31 = arith.constant 192 : i32
    %dma_start3A_32 = arith.constant 0 : i32
    %dma_start3A_33 = tpu.memref_slice %arg6[%dma_start3A_31, %dma_start3A_32] : memref<288x256xf32, #tpu.memory_space<vmem>> -> memref<96x256xf32, #tpu.memory_space<vmem>>
    %dma_start3A_34 = arith.constant 0 : i32
    %dma_start3A_35 = tpu.memref_slice %arg5[%dma_start3A_30, %dma_start3A_34] : memref<3x96xi32, #tpu.memory_space<vmem>> -> memref<1x96xi32, #tpu.memory_space<vmem>>
    %dma_start3A_36 = tpu.memref_squeeze %dma_start3A_35 : memref<1x96xi32, #tpu.memory_space<vmem>> -> memref<96xi32, #tpu.memory_space<vmem>>
    %dma_start3A_37 = arith.constant 0 : i32
    %dma_start3A_38 = arith.constant 0 : i32
    %dma_start3A_39 = tpu.memref_slice %arg2[%dma_start3A_37, %dma_start3A_38] : memref<8192x256xf32, #tpu.memory_space<hbm>> -> memref<8192x256xf32, #tpu.memory_space<hbm>>
    tpu.enqueue_indirect_dma source(%dma_start3A_39 : memref<8192x256xf32, #tpu.memory_space<hbm>>) target(%dma_start3A_33 : memref<96x256xf32, #tpu.memory_space<vmem>>) offsets(%dma_start3A_36 : memref<96xi32, #tpu.memory_space<vmem>>) semaphore(%arg7 : memref<!tpu.dma_semaphore, #tpu.memory_space<semaphore_mem>>)
    %dma_wait3A = arith.constant 0 : i32
    %dma_wait3A_40 = arith.constant 0 : i32
    %dma_wait3A_41 = arith.constant 0 : i32
    %dma_wait3A_42 = tpu.memref_slice %arg6[%dma_wait3A_40, %dma_wait3A_41] : memref<288x256xf32, #tpu.memory_space<vmem>> -> memref<96x256xf32, #tpu.memory_space<vmem>>
    %dma_wait3A_43 = arith.constant 0 : i32
    %dma_wait3A_44 = tpu.memref_slice %arg5[%dma_wait3A, %dma_wait3A_43] : memref<3x96xi32, #tpu.memory_space<vmem>> -> memref<1x96xi32, #tpu.memory_space<vmem>>
    %dma_wait3A_45 = tpu.memref_squeeze %dma_wait3A_44 : memref<1x96xi32, #tpu.memory_space<vmem>> -> memref<96xi32, #tpu.memory_space<vmem>>
    %dma_wait3A_46 = arith.constant 0 : i32
    %dma_wait3A_47 = arith.constant 0 : i32
    %dma_wait3A_48 = tpu.memref_slice %arg2[%dma_wait3A_46, %dma_wait3A_47] : memref<8192x256xf32, #tpu.memory_space<hbm>> -> memref<8192x256xf32, #tpu.memory_space<hbm>>
    tpu.wait_indirect_dma semaphore(%arg7 : memref<!tpu.dma_semaphore, #tpu.memory_space<semaphore_mem>>) src(%dma_wait3A_48 : memref<8192x256xf32, #tpu.memory_space<hbm>>) dst(%dma_wait3A_42 : memref<96x256xf32, #tpu.memory_space<vmem>>)
    %dma_wait3A_49 = arith.constant 1 : i32
    %dma_wait3A_50 = arith.constant 96 : i32
    %dma_wait3A_51 = arith.constant 0 : i32
    %dma_wait3A_52 = tpu.memref_slice %arg6[%dma_wait3A_50, %dma_wait3A_51] : memref<288x256xf32, #tpu.memory_space<vmem>> -> memref<96x256xf32, #tpu.memory_space<vmem>>
    %dma_wait3A_53 = arith.constant 0 : i32
    %dma_wait3A_54 = tpu.memref_slice %arg5[%dma_wait3A_49, %dma_wait3A_53] : memref<3x96xi32, #tpu.memory_space<vmem>> -> memref<1x96xi32, #tpu.memory_space<vmem>>
    %dma_wait3A_55 = tpu.memref_squeeze %dma_wait3A_54 : memref<1x96xi32, #tpu.memory_space<vmem>> -> memref<96xi32, #tpu.memory_space<vmem>>
    %dma_wait3A_56 = arith.constant 0 : i32
    %dma_wait3A_57 = arith.constant 0 : i32
    %dma_wait3A_58 = tpu.memref_slice %arg2[%dma_wait3A_56, %dma_wait3A_57] : memref<8192x256xf32, #tpu.memory_space<hbm>> -> memref<8192x256xf32, #tpu.memory_space<hbm>>
    tpu.wait_indirect_dma semaphore(%arg7 : memref<!tpu.dma_semaphore, #tpu.memory_space<semaphore_mem>>) src(%dma_wait3A_58 : memref<8192x256xf32, #tpu.memory_space<hbm>>) dst(%dma_wait3A_52 : memref<96x256xf32, #tpu.memory_space<vmem>>)
    %dma_wait3A_59 = arith.constant 2 : i32
    %dma_wait3A_60 = arith.constant 192 : i32
    %dma_wait3A_61 = arith.constant 0 : i32
    %dma_wait3A_62 = tpu.memref_slice %arg6[%dma_wait3A_60, %dma_wait3A_61] : memref<288x256xf32, #tpu.memory_space<vmem>> -> memref<96x256xf32, #tpu.memory_space<vmem>>
    %dma_wait3A_63 = arith.constant 0 : i32
    %dma_wait3A_64 = tpu.memref_slice %arg5[%dma_wait3A_59, %dma_wait3A_63] : memref<3x96xi32, #tpu.memory_space<vmem>> -> memref<1x96xi32, #tpu.memory_space<vmem>>
    %dma_wait3A_65 = tpu.memref_squeeze %dma_wait3A_64 : memref<1x96xi32, #tpu.memory_space<vmem>> -> memref<96xi32, #tpu.memory_space<vmem>>
    %dma_wait3A_66 = arith.constant 0 : i32
    %dma_wait3A_67 = arith.constant 0 : i32
    %dma_wait3A_68 = tpu.memref_slice %arg2[%dma_wait3A_66, %dma_wait3A_67] : memref<8192x256xf32, #tpu.memory_space<hbm>> -> memref<8192x256xf32, #tpu.memory_space<hbm>>
    tpu.wait_indirect_dma semaphore(%arg7 : memref<!tpu.dma_semaphore, #tpu.memory_space<semaphore_mem>>) src(%dma_wait3A_68 : memref<8192x256xf32, #tpu.memory_space<hbm>>) dst(%dma_wait3A_62 : memref<96x256xf32, #tpu.memory_space<vmem>>)
    "tpu.region"() ({
      %run_scoped3A_69 = tpu.sem_alloc : memref<!tpu.dma_semaphore, #tpu.memory_space<semaphore_mem>>
      %dma_start3A_70 = arith.constant 0 : i32
      %dma_start3A_71 = tpu.memref_slice %arg4[%mul3A_2, %dma_start3A_70] : memref<9216x256xf32, #tpu.memory_space<hbm>> -> memref<288x256xf32, #tpu.memory_space<hbm>>
      %dma_start3A_72 = arith.constant 0 : i32
      %dma_start3A_73 = tpu.memref_slice %arg4[%mul3A_2, %dma_start3A_72] : memref<9216x256xf32, #tpu.memory_space<hbm>> -> memref<288x256xf32, #tpu.memory_space<hbm>>
      tpu.enqueue_dma source(%arg6 : memref<288x256xf32, #tpu.memory_space<vmem>>) target(%dma_start3A_73 : memref<288x256xf32, #tpu.memory_space<hbm>>) target_semaphore(%run_scoped3A_69 : memref<!tpu.dma_semaphore, #tpu.memory_space<semaphore_mem>>)
      %dma_wait3A_74 = arith.constant 0 : i32
      %dma_wait3A_75 = tpu.memref_slice %arg4[%mul3A_2, %dma_wait3A_74] : memref<9216x256xf32, #tpu.memory_space<hbm>> -> memref<288x256xf32, #tpu.memory_space<hbm>>
      %dma_wait3A_76 = arith.constant 0 : i32
      %dma_wait3A_77 = tpu.memref_slice %arg4[%mul3A_2, %dma_wait3A_76] : memref<9216x256xf32, #tpu.memory_space<hbm>> -> memref<288x256xf32, #tpu.memory_space<hbm>>
      tpu.wait_dma2 semaphore(%run_scoped3A_69 : memref<!tpu.dma_semaphore, #tpu.memory_space<semaphore_mem>>) src(%arg6 : memref<288x256xf32, #tpu.memory_space<vmem>>) dst(%dma_wait3A_77 : memref<288x256xf32, #tpu.memory_space<hbm>>)
      tpu.yield
    }) : () -> ()
    return
  }
}

module attributes {stable_mosaic.version = 14 : i64} {
  func.func @_argmin_body(%arg0: i32, %arg1: memref<1024x256xf32, #tpu.memory_space<vmem>>, %arg2: memref<256x8192xf32, #tpu.memory_space<vmem>>, %arg3: memref<1x8192xf32, #tpu.memory_space<vmem>>, %arg4: memref<9x1024xi32, #tpu.memory_space<vmem>>, %arg5: memref<1x1xf32, #tpu.memory_space<smem>>) attributes {dimension_semantics = [#tpu.dimension_semantics<arbitrary>], iteration_bounds = array<i64: 9>, scalar_prefetch = 0 : i64, scratch_operands = 0 : i64, tpu.core_type = #tpu.core_type<tc>, window_params = [{transform_indices = @transform_0, window_bounds = array<i64: 1024, 256>}, {pipeline_mode = #tpu.pipeline_mode<synchronous>, transform_indices = @transform_1, window_bounds = array<i64: 256, 8192>}, {pipeline_mode = #tpu.pipeline_mode<synchronous>, transform_indices = @transform_2, window_bounds = array<i64: 1, 8192>}, {pipeline_mode = #tpu.pipeline_mode<synchronous>, transform_indices = @transform_3, window_bounds = array<i64: 9, 1024>}, {transform_indices = @transform_4, window_bounds = array<i64: 1, 1>}]} {
    %get3A = arith.constant 0 : index
    %get3A_0 = arith.constant 0 : index
    %get3A_1 = vector.load %arg1[%get3A, %get3A_0] : memref<1024x256xf32, #tpu.memory_space<vmem>>, vector<1024x256xf32>
    %get3A_2 = arith.constant 0 : index
    %get3A_3 = arith.constant 0 : index
    %get3A_4 = vector.load %arg2[%get3A_2, %get3A_3] : memref<256x8192xf32, #tpu.memory_space<vmem>>, vector<256x8192xf32>
    %dot_general3A = arith.constant dense<0.000000e+00> : vector<1024x8192xf32>
    %dot_general3A_5 = tpu.matmul %get3A_1, %get3A_4, %dot_general3A {dimension_numbers = #tpu.dot_dimension_numbers<[1], [0], [0], [1], [0, 0, 1, 1], [], []>, transpose_lhs_hint = false} : vector<1024x256xf32>, vector<256x8192xf32>, vector<1024x8192xf32> -> vector<1024x8192xf32>
    %mul3A = arith.mulf %get3A_1, %get3A_1 : vector<1024x256xf32>
    %reduce_sum3A = arith.constant dense<0.000000e+00> : vector<1024xf32>
    %reduce_sum3A_6 = vector.multi_reduction <add>, %mul3A, %reduce_sum3A [1] : vector<1024x256xf32> to vector<1024xf32>
    %broadcast_in_dim3A = vector.shape_cast %reduce_sum3A_6 : vector<1024xf32> to vector<1024x1xf32>
    %get3A_7 = arith.constant 0 : index
    %get3A_8 = arith.constant 0 : index
    %get3A_9 = vector.load %arg3[%get3A_7, %get3A_8] : memref<1x8192xf32, #tpu.memory_space<vmem>>, vector<1x8192xf32>
    %add3A = vector.broadcast %broadcast_in_dim3A : vector<1024x1xf32> to vector<1024x8192xf32>
    %add3A_10 = vector.broadcast %get3A_9 : vector<1x8192xf32> to vector<1024x8192xf32>
    %add3A_11 = arith.addf %add3A, %add3A_10 : vector<1024x8192xf32>
    %mul3A_12 = arith.constant 2.000000e+00 : f32
    %mul3A_13 = vector.broadcast %mul3A_12 : f32 to vector<1024x8192xf32>
    %mul3A_14 = arith.mulf %mul3A_13, %dot_general3A_5 : vector<1024x8192xf32>
    %sub3A = arith.subf %add3A_11, %mul3A_14 : vector<1024x8192xf32>
    %reduce_min3A = arith.constant dense<0x7F800000> : vector<1024xf32>
    %reduce_min3A_15 = vector.multi_reduction <minimumf>, %sub3A, %reduce_min3A [1] : vector<1024x8192xf32> to vector<1024xf32>
    %broadcast_in_dim3A_16 = vector.shape_cast %reduce_min3A_15 : vector<1024xf32> to vector<1024x1xf32>
    %iota3A = tpu.iota {dimensions = array<i32: 1>} : vector<1024x8192xi32>
    %eq3A = vector.broadcast %broadcast_in_dim3A_16 : vector<1024x1xf32> to vector<1024x8192xf32>
    %eq3A_17 = arith.cmpf oeq, %sub3A, %eq3A : vector<1024x8192xf32>
    %jit3A = arith.constant 8192 : i32
    %broadcast_in_dim3A_18 = vector.broadcast %jit3A : i32 to vector<1024x8192xi32>
    %select_n3A = arith.select %eq3A_17, %iota3A, %broadcast_in_dim3A_18 : vector<1024x8192xi1>, vector<1024x8192xi32>
    %reduce_min3A_19 = arith.constant dense<2147483647> : vector<1024xi32>
    %reduce_min3A_20 = vector.multi_reduction <minsi>, %select_n3A, %reduce_min3A_19 [1] : vector<1024x8192xi32> to vector<1024xi32>
    %reshape3A = vector.shape_cast %reduce_min3A_20 : vector<1024xi32> to vector<1x1024xi32>
    %swap3A = arith.index_cast %arg0 : i32 to index
    %swap3A_21 = arith.constant 0 : index
    %swap3A_22 = vector.load %arg4[%swap3A, %swap3A_21] : memref<9x1024xi32, #tpu.memory_space<vmem>>, vector<1x1024xi32>
    tpu.vector_store %arg4[%swap3A, %swap3A_21], %reshape3A {strides = array<i32>} : memref<9x1024xi32, #tpu.memory_space<vmem>>, vector<1x1024xi32>,
    %eq3A_23 = arith.constant 0 : i32
    %eq3A_24 = arith.cmpi eq, %arg0, %eq3A_23 : i32
    %convert_element_type3A = arith.extui %eq3A_24 : i1 to i32
    %cond3A = arith.constant 0 : i32
    %cond3A_25 = arith.cmpi ne, %convert_element_type3A, %cond3A : i32
    scf.if %cond3A_25 {
      %swap3A_38 = arith.constant 0.000000e+00 : f32
      %swap3A_39 = arith.constant 0 : index
      %swap3A_40 = arith.constant 0 : index
      %swap3A_41 = memref.load %arg5[%swap3A_39, %swap3A_40] : memref<1x1xf32, #tpu.memory_space<smem>>
      memref.store %swap3A_38, %arg5[%swap3A_39, %swap3A_40] : memref<1x1xf32, #tpu.memory_space<smem>>
    } else {
    }
    %get3A_26 = arith.constant 0 : index
    %get3A_27 = arith.constant 0 : index
    %get3A_28 = memref.load %arg5[%get3A_26, %get3A_27] : memref<1x1xf32, #tpu.memory_space<smem>>
    %squeeze3A = vector.shape_cast %broadcast_in_dim3A_16 : vector<1024x1xf32> to vector<1024xf32>
    %reduce_sum3A_29 = vector.shape_cast %squeeze3A : vector<1024xf32> to vector<1x1024xf32>
    %reduce_sum3A_30 = arith.constant dense<0.000000e+00> : vector<1xf32>
    %reduce_sum3A_31 = vector.multi_reduction <add>, %reduce_sum3A_29, %reduce_sum3A_30 [1] : vector<1x1024xf32> to vector<1xf32>
    %reduce_sum3A_32 = vector.shape_cast %reduce_sum3A_31 : vector<1xf32> to vector<1x1xf32>
    %reduce_sum3A_33 = vector.extract %reduce_sum3A_32[0, 0] : f32 from vector<1x1xf32>
    %add3A_34 = arith.addf %get3A_28, %reduce_sum3A_33 : f32
    %swap3A_35 = arith.constant 0 : index
    %swap3A_36 = arith.constant 0 : index
    %swap3A_37 = memref.load %arg5[%swap3A_35, %swap3A_36] : memref<1x1xf32, #tpu.memory_space<smem>>
    memref.store %add3A_34, %arg5[%swap3A_35, %swap3A_36] : memref<1x1xf32, #tpu.memory_space<smem>>
    return
  }
  func.func @transform_0(%arg0: i32) -> (i32, i32) {
    %c0_i32 = arith.constant 0 : i32
    %c0_i32_0 = arith.constant 0 : i32
    return %arg0, %c0_i32 : i32, i32
  }
  func.func @transform_1(%arg0: i32) -> (i32, i32) {
    %c0_i32 = arith.constant 0 : i32
    %c0_i32_0 = arith.constant 0 : i32
    %c0_i32_1 = arith.constant 0 : i32
    return %c0_i32, %c0_i32_0 : i32, i32
  }
  func.func @transform_2(%arg0: i32) -> (i32, i32) {
    %c0_i32 = arith.constant 0 : i32
    %c0_i32_0 = arith.constant 0 : i32
    %c0_i32_1 = arith.constant 0 : i32
    return %c0_i32, %c0_i32_0 : i32, i32
  }
  func.func @transform_3(%arg0: i32) -> (i32, i32) {
    %c0_i32 = arith.constant 0 : i32
    %c0_i32_0 = arith.constant 0 : i32
    %c0_i32_1 = arith.constant 0 : i32
    return %c0_i32, %c0_i32_0 : i32, i32
  }
  func.func @transform_4(%arg0: i32) -> (i32, i32) {
    %c0_i32 = arith.constant 0 : i32
    %c0_i32_0 = arith.constant 0 : i32
    %c0_i32_1 = arith.constant 0 : i32
    return %c0_i32, %c0_i32_0 : i32, i32
  }
}

</mosaic_0001>

<sc_bundles>
// kernel: kernel.4.cloned.1.call-start
scs
__scs_entry_jumppad:
0x0: {  	(pc) =	sbr.rel $0x88, $3  }
0x1: {  	(tag) =	ssettag $0x0;
	lr =	simm.s32 $0x1  }
0x2: {  	[smem:$0x3F9F] =	sst lr;
	_ =	strace $0xD0000000  }
0x3: {  	_ = 	snop  }
0x4: {  	_ = 	snop  }
0x5: {  	_ = 	snop  }
0x6: {  	_ = 	snop  }
0x7: {  	_ = 	snop  }
__scs_overlays_trampoline_lowered:
0x8: {  	[smem:$0x3FAE] =	sst s0  }
0x9: {  	[smem:$0x3FAF] =	sst s1  }
0xa: {  	[smem:$0x3FB0] =	sst s2  }
0xb: {  	[smem:$0x3FB1] =	sst s3  }
0xc: {  	[smem:$0x3FB2] =	sst s4  }
0xd: {  	[smem:$0x3FB3] =	sst s5  }
0xe: {  	[smem:$0x3FB4] =	sst s6  }
0xf: {  	[smem:$0x3FB5] =	sst s7  }
0x10: {  	[smem:$0x3FB6] =	sst s8  }
0x11: {  	[smem:$0x3FB7] =	sst s9;
	s0 =	simm.s32 @!p0 $0x0  }
0x12: {  	s1 =	sld [smem:$0x3F9D];
	s0 =	simm.s32 @p0 $0x1  }
0x13: {  	[smem:$0x3FB8] =	sst s0;
	s0 =	simm.s32 @!p1 $0x0  }
0x14: {  	s2 =	sld [smem:$0x3F9C];
	s0 =	simm.s32 @p1 $0x1  }
0x15: {  	[smem:$0x3FB9] =	sst s0;
	s0 =	simm.s32 @!p2 $0x0  }
0x16: {  	s3 =	sld [smem:$0x3FDB];
	s0 =	simm.s32 @p2 $0x1  }
0x17: {  	s4 =	simm.s32 $0x1BF5;
	[smem:$0x3FBB] =	sst s0  }
0x18: {  	s0 =	sld [smem:$0x3F9E];
	_ =	swait.ge [sflag:s4], $0x0  }
0x19: {  	s7 =	sld [smem:$0x3F9F]  }
0x1a: {  	s8 =	sadd.s32 $0xFFFFE003, lr  }
0x1b: {  	s9 =	sadd.s32 $0xFFFFFEF7, lr;
	s5 =	simm.s32 $0xFFFFFFFF;
	p2 =	slt.u32 s8, $0xFFFFF086  }
0x1c: {  	p1 =	slt.u32 s9, $0xF7A;
	s5 =	simm.s32 @!p2 $0x0  }
0x1d: {  	s5 =	simm.s32 @p1 $0x1;
	p0 =	seq.s32 s7, s2  }
0x1e: {  	s7 =	smul.u32 @!p0 $0xF7A, s2;
	p2 =	seq.s32 @!p0 s5, $0x0  }
0x1f: {  	s9 =	smul.u32 $0xF7A, s1;
	s8 =	simm.s32 @!p0 $0x1BF5;
	p2 =	por !p2, p0  }
0x20: {  	[sflag:s8] =	ssyncset.s32 @!p0 $0xFFFFF086;
	s6 =	sadd.s32 @!p0 s3, s7;
	s7 =	simm.s32 @!p0 $0x108  }
0x21: {  	s3 =	sadd.s32 s3, s9;
	s6 =	sadd.s32 @!p0 $0x88, s6;
	s7 =	simm.s32 @p2 $0x1082  }
0x22: {  	[simem:s7], [sflag:s8] =	dma.local @!p0 [hbm:s6], $0xF7A  }
0x23: {  	s9 =	sor.u32 $0xD0000000, s2;
	s6 =	simm.s32 $0x108;
	_ =	swait.ge @!p0 [sflag:s8], $0x0  }
0x24: {  	s3 =	sadd.s32 $0x88, s3;
	s6 =	simm.s32 @!p1 $0x1082;
	[sflag:s4] =	ssyncset.s32 $0xFFFFF086  }
0x25: {  	[simem:s6], [sflag:s4] =	dma.local [hbm:s3], $0xF7A  }
0x26: {  	[smem:$0x3F9F] =	sst s1;
	(tag) =	ssettag s2;
	_ =	strace s9  }
0x27: {  	s1 =	sld [smem:$0x3FAF]  }
0x28: {  	s2 =	sld [smem:$0x3FB0]  }
0x29: {  	s4 =	sld [smem:$0x3FB2]  }
0x2a: {  	p0 =	seq.s32 s5, $0x0;
	s5 =	sld [smem:$0x3FB3]  }
0x2b: {  	s6 =	sld [smem:$0x3FB4]  }
0x2c: {  	s7 =	sld [smem:$0x3FB5]  }
0x2d: {  	s3 =	simm.s32 $0x108;
	s8 =	sld [smem:$0x3FB6]  }
0x2e: {  	s3 =	simm.s32 @!p0 $0x1082;
	s9 =	sld [smem:$0x3FB7]  }
0x2f: {  	lr =	sadd.s32 s0, s3;
	s0 =	sld [smem:$0x3FAE]  }
0x30: {  	s3 =	sld [smem:$0x3FB1]  }
0x31: {  	[smem:$0x3FBA] =	sst s10  }
0x32: {  	s10 =	sld [smem:$0x3FB8];
	_ =	sdelay $0x3  }
0x33: {  	p0 =	seq.s32 s10, $0x1;
	s10 =	sld [smem:$0x3FBA];
	_ =	sdelay $0x3  }
0x34: {  	[smem:$0x3FBA] =	sst s10  }
0x35: {  	s10 =	sld [smem:$0x3FB9];
	_ =	sdelay $0x3  }
0x36: {  	p1 =	seq.s32 s10, $0x1;
	s10 =	sld [smem:$0x3FBA];
	_ =	sdelay $0x3  }
0x37: {  	[smem:$0x3FBA] =	sst s10  }
0x38: {  	s10 =	sld [smem:$0x3FBB]  }
0x39: {  	_ = 	snop;
	(pc) =	sbr.ind lr, $3  }
0x3a: {  	_ = 	snop  }
0x3b: {  	_ = 	snop  }
0x3c: {  	p2 =	seq.s32 s10, $0x1;
	s10 =	sld [smem:$0x3FBA]  }
0x3d: {  	_ =	shalt  }
0x3e: {  	_ =	shalt  }
0x3f: {  	_ =	shalt  }
0x40: {  	_ =	shalt  }
0x41: {  	_ =	shalt  }
0x42: {  	_ =	shalt  }
0x43: {  	_ =	shalt  }
0x44: {  	_ =	shalt  }
0x45: {  	_ =	shalt  }
0x46: {  	_ =	shalt  }
0x47: {  	_ =	shalt  }
0x48: {  	_ =	shalt  }
0x49: {  	_ =	shalt  }
0x4a: {  	_ =	shalt  }
0x4b: {  	_ =	shalt  }
0x4c: {  	_ =	shalt  }
0x4d: {  	_ =	shalt  }
0x4e: {  	_ =	shalt  }
0x4f: {  	_ =	shalt  }
0x50: {  	_ =	shalt  }
0x51: {  	_ =	shalt  }
0x52: {  	_ =	shalt  }
0x53: {  	_ =	shalt  }
0x54: {  	_ =	shalt  }
0x55: {  	_ =	shalt  }
0x56: {  	_ =	shalt  }
0x57: {  	_ =	shalt  }
0x58: {  	_ =	shalt  }
0x59: {  	_ =	shalt  }
0x5a: {  	_ =	shalt  }
0x5b: {  	_ =	shalt  }
0x5c: {  	_ =	shalt  }
0x5d: {  	_ =	shalt  }
0x5e: {  	_ =	shalt  }
0x5f: {  	_ =	shalt  }
0x60: {  	_ =	shalt  }
0x61: {  	_ =	shalt  }
0x62: {  	_ =	shalt  }
0x63: {  	_ =	shalt  }
0x64: {  	_ =	shalt  }
0x65: {  	_ =	shalt  }
0x66: {  	_ =	shalt  }
0x67: {  	_ =	shalt  }
0x68: {  	_ =	shalt  }
0x69: {  	_ =	shalt  }
0x6a: {  	_ =	shalt  }
0x6b: {  	_ =	shalt  }
0x6c: {  	_ =	shalt  }
0x6d: {  	_ =	shalt  }
0x6e: {  	_ =	shalt  }
0x6f: {  	_ =	shalt  }
0x70: {  	_ =	shalt  }
0x71: {  	_ =	shalt  }
0x72: {  	_ =	shalt  }
0x73: {  	_ =	shalt  }
0x74: {  	_ =	shalt  }
0x75: {  	_ =	shalt  }
0x76: {  	_ =	shalt  }
0x77: {  	_ =	shalt  }
0x78: {  	_ =	shalt  }
0x79: {  	_ =	shalt  }
0x7a: {  	_ =	shalt  }
0x7b: {  	_ =	shalt  }
0x7c: {  	_ =	shalt  }
0x7d: {  	_ =	shalt  }
0x7e: {  	_ =	shalt  }
0x7f: {  	_ =	shalt  }
0x80: {  	_ =	shalt  }
0x81: {  	_ =	shalt  }
0x82: {  	_ =	shalt  }
0x83: {  	_ =	shalt  }
0x84: {  	_ =	shalt  }
0x85: {  	_ =	shalt  }
0x86: {  	_ =	shalt  }
0x87: {  	_ =	shalt  }
.Lfunc_end0:
.L_simem_size_0:
called_computation_lowered:
.L_overlay_start_0:
0x88: {  	s2 =	sld [smem:$0x3FD9]  }
0x89: {  	s3 =	sld [smem:$0x3FFE];
	_ =	sdelay $0x1  }
0x8a: {  	s1 =	srdreg.scid  }
0x8b: {  	s0 =	sand.u32 $0x1, s1  }
0x8c: {  	s15 =	sshll.u32 s0, $0xA;
	s2 =	sadd.s32 s3, s2  }
0x8d: {  	s2 =	sadd.s32 s2, s15  }
0x8e: {  	[smem:$0x3FC6] =	sst s2  }
0x8f: {  	_ = 	snop  }
0x90: {  	s2 =	sld [smem:$0x3FD0];
	_ =	sdelay $0x2  }
0x91: {  	s4 =	simm.s32 $0xA;
	s5 =	simm.s32 $0x10;
	s16 =	sld [smem:$0x3FC8]  }
0x92: {  	[smem:s5], [sflag:s4] =	dma.local [hbm:s2], $0x1  }
0x93: {  	_ =	swait.eq [sflag:s4], $0x1  }
0x94: {  	[sflag:s4] =	ssyncset.done $0x0  }
0x95: {  	s17 =	sld [smem:$0x10];
	[sflag:s4] =	ssyncadd.s32 $0xFFFFFFFF  }
0x96: {  	s18 =	sld [smem:$0x12];
	(tm) =	ssettm $0x1  }
0x97: {  	s19 =	sld [smem:$0x3FFB];
	_ =	sdelay $0x3  }
0x98: {  	_ =	strace s19  }
0x99: {  	s5 =	sld [smem:$0x3FFC];
	_ =	sdelay $0x3  }
0x9a: {  	_ =	strace s5  }
0x9b: {  	s5 =	sld [smem:$0x3FFD];
	_ =	sdelay $0x3  }
0x9c: {  	_ =	strace s5  }
0x9d: {  	_ =	strace $0x8FFFFFFF  }
0x9e: {  	s20 =	sld [smem:$0x3FDB];
	_ =	sdelay $0x1  }
0x9f: {  	s6 =	simm.s32 $_scs_section_size  }
0xa0: {  	s7 =	simm.s32 $_size__tile_overlayer_lowered;
	s8 =	simm.s32 $_tile_overlayer_lowered  }
0xa1: {  	s23 =	simm.s32 $0x1BFF;
	s22 =	sshll.u32 s8, $0x1;
	s5 =	sadd.s32 s6, s20  }
0xa2: {  	s9 =	simm.s32 $0x0;
	s21 =	sshll.u32 s7, $0x1;
	s7 =	sadd.s32 s22, s5  }
0xa3: {  	[timem:s9], [sflag:s23] =	dma.local [hbm:s7], s21  }
0xa4: {  	_ =	swait.ge [sflag:s23], s21  }
0xa5: {  	s6 =	ssub.s32 $0x0, s21;
	[sflag:s23] =	ssyncset.done $0x0  }
0xa6: {  	[sflag:s23] =	ssyncadd.s32 s6;
	_ =	sdelay $0x1  }
0xa7: {  	s24 =	simm.s32 $0x1B8B  }
0xa8: {  	_ =	swait.ge [sflag:s24], $0x1  }
0xa9: {  	[sflag:s24] =	ssyncset.done $0x0  }
0xaa: {  	s25 =	simm.s32 $0x1B8E;
	[sflag:s24] =	ssyncadd.s32 $0xFFFFFFFF  }
0xab: {  	s26 =	simm.s32 $execute0_lowered;
	[smem:$0x3FD2] =	sst s25  }
0xac: {  	s6 =	sshll.u32 s26, $0x1;
	_ =	strace $0x80000046;
	[dreg:$0x1] =	wrdreg $0xFFFFFFFF  }
0xad: {  	s28 =	simm.s32 $_size_execute0_lowered;
	s5 =	sadd.s32 s5, s6;
	[dreg:$0x0] =	wrdreg $0x0  }
0xae: {  	s6 =	sshll.u32 s28, $0x1;
	[dreg:$0x2] =	wrdreg s5  }
0xaf: {  	[dreg:$0x3] =	wrdreg s6  }
0xb0: {  	[dreg:$0x4] =	wrdreg $0xC0  }
0xb1: {  	_ =	task [dreg:s9], $0x5FFFF  }
0xb2: {  	[dreg:$0x1] =	wrdreg $0xFFFFFFFF  }
0xb3: {  	[dreg:$0x0] =	wrdreg $0x60  }
0xb4: {  	[dreg:$0x2] =	wrdreg s16  }
0xb5: {  	[dreg:$0x3] =	wrdreg s18  }
0xb6: {  	[dreg:$0x4] =	wrdreg s17  }
0xb7: {  	[dreg:$0x5] =	wrdreg $0x9  }
0xb8: {  	_ =	task.clear_ibuf [dreg:s9], $0x6FFFF;
	_ =	strace $0x90000046  }
0xb9: {  	s29 =	simm.s32 $0x9;
	_ =	strace $0x80000048  }
0xba: {  	_ =	swait.ge [sflag:s29], $0x1  }
0xbb: {  	[sflag:s29] =	ssyncadd.s32 $0xFFFFFFFF  }
0xbc: {  	_ =	strace $0x90000048  }
0xbd: {  	_ =	sfence  }
0xbe: {  	s30 =	sld [smem:$0x0];
	_ =	sdelay $0x2  }
0xbf: {  	s31 =	sshll.u32 s1, $0xD;
	s1 =	sshrl.u32 s1, $0x2  }
0xc0: {  	s3 =	sand.u32 $0x4000, s31;
	s1 =	sadd.s32 s1, s30  }
0xc1: {  	s0 =	sor.u32 s3, s0;
	s1 =	sshll.u32 s1, $0x11  }
0xc2: {  	s0 =	sor.u32 s1, s0  }
0xc3: {  	s0 =	sadd.s32 $0x8F2B, s0  }
0xc4: {  	[sflag:s0] =	ssyncadd.remote.s32 $0x1  }
0xc5: {  	_ =	sfence.sel $0xFFFF  }
0xc6: {  	[dreg:$0x0] =	wrdreg $0xFFFFFFFF;
	(pc) =	sbr.abs _section_cstart, $3  }
0xc7: {  	[dreg:$0x1] =	wrdreg $0xFFFFFFFF  }
0xc8: {  	_ =	task.clear_ibuf [dreg:s9], $0x2FFFF;
	_ =	strace $0x9FFFFFFF  }
0xc9: {  	(tm) =	ssettm $0x7FFFFFFF  }
tec
execute0_lowered:
.L_overlay_start_1:
0x0: {  	(tag) =	ssettag $0x1  }
0x1: {  	s1 =	srdreg.scid  }
0x2: {  	s0 =	stileid.u32;
	s2 =	rddreg [dreg:$0x0]  }
0x3: {  	s4 =	rddreg [dreg:$0x1];
	s1 =	sand.u32 $0x1, s1;
	s3 =	sshll.u32 s0, $0x1  }
0x4: {  	s7 =	rddreg [dreg:$0x2];
	s5 =	sor.u32 s1, s3;
	s3 =	simm.s32 $0x0  }
0x5: {  	s12 =	simm.s32 $0x80;
	[smem:$0x7FF] =	sst s3  }
0x6: {  	s13 =	simm.s32 $0x100;
	_ =	strace $0x80000047;
	[dreg:$0x7] =	wrdreg s12  }
0x7: {  	s14 =	simm.s32 $0xA00;
	[dreg:$0x8] =	wrdreg s13  }
0x8: {  	s15 =	simm.s32 $0x1200;
	[dreg:$0x9] =	wrdreg s14  }
0x9: {  	s16 =	simm.s32 $0x1A00;
	s17 =	simm.s32 $0x2200;
	[dreg:$0xa] =	wrdreg s15  }
0xa: {  	s18 =	simm.s32 $0x2A00;
	s19 =	simm.s32 $0x3200;
	[dreg:$0xb] =	wrdreg s16  }
0xb: {  	s20 =	simm.s32 $0x3A00;
	s21 =	simm.s32 $0x4200;
	[dreg:$0xc] =	wrdreg s17  }
0xc: {  	s22 =	simm.s32 $0x4A00;
	s24 =	simm.s32 $0x5200;
	[dreg:$0xd] =	wrdreg s18  }
0xd: {  	s25 =	simm.s32 $0x5A00;
	s26 =	simm.s32 $0x6200;
	[dreg:$0xe] =	wrdreg s19  }
0xe: {  	s9 =	simm.s32 $0x7200;
	s10 =	simm.s32 $0x7A00;
	[dreg:$0xf] =	wrdreg s20  }
0xf: {  	s28 =	simm.s32 $0x10200;
	s29 =	simm.s32 $0x10A00;
	[dreg:$0x10] =	wrdreg s21  }
0x10: {  	s30 =	simm.s32 $0x11200;
	s31 =	simm.s32 $0x11A00;
	[dreg:$0x11] =	wrdreg s22  }
0x11: {  	s1 =	ssub.s32 $0x2, s1;
	s6 =	smul.u32 $0x120, s5;
	[dreg:$0x12] =	wrdreg s24  }
0x12: {  	s5 =	smul.u32 $0x2400, s5;
	s23 =	sshrl.u32 s1, $0x1;
	[dreg:$0x13] =	wrdreg s25  }
0x13: {  	s1 =	ssub.s32 s1, s23;
	[dreg:$0x14] =	wrdreg s26;
	s12 =	simm.s32 $0x8A00  }
0x14: {  	s13 =	simm.s32 $0x9200;
	s14 =	simm.s32 $0x9A00;
	s15 =	simm.s32 $0xA200  }
0x15: {  	s16 =	simm.s32 $0xAA00;
	s17 =	simm.s32 $0xB200;
	s18 =	simm.s32 $0xBA00  }
0x16: {  	s19 =	simm.s32 $0xC200;
	s20 =	simm.s32 $0xCA00;
	s21 =	simm.s32 $0xD200  }
0x17: {  	s22 =	simm.s32 $0xDA00;
	s23 =	simm.s32 $0xE200;
	s24 =	simm.s32 $0xEA00  }
0x18: {  	s25 =	simm.s32 $0xF200;
	s26 =	simm.s32 $0xFA00;
	s6 =	sshrl.u32 s6, $0x3  }
0x19: {  	s5 =	sadd.s32 s7, s5;
	s7 =	simm.s32 $0x200;
	s4 =	sadd.s32 s4, s6  }
0x1a: {  	v2 =	vlaneseq.u32;
	[dreg:$0x6] =	wrdreg s5;
	s5 =	smax.u32 s1, $0x1;
	s6 =	sadd.s32 $0xC, s4  }
0x1b: {  	vm0 =	vmmov $0xffff;
	v1 =	vshrl.u32 v2, $0x3;
	s1 =	simm.s32 $0x1;
	s11 =	sadd.s32 $0x18, s4;
	[dreg:$0x4] =	wrdreg s6  }
0x1c: {  	v0 =	vand.u32 $0x7, v2;
	v2 =	vor.u32 $0x8, v2;
	v1 =	vmul.u32 $0x8, v1;
	[dreg:$0x5] =	wrdreg s11;
	s6 =	simm.s32 $0x2;
	s11 =	simm.s32 $0x8200  }
.LBB2_1:
0x1d: {  	[tilespmem:s3], [sflag:$0x2] =	stream.linear.gather [hbm4b:s4+s3], $0x60, $0x38;
	[tilespmem:$0x12200] =	vst v63  }
0x1e: {  	_ =	swait.ge [sflag:s6], $0x60  }
0x1f: {  	s0 =	rddreg [dreg:$0x4];
	[sflag:s6] =	ssyncset.done $0x0  }
0x20: {  	s8 =	rddreg [dreg:$0x7];
	[sflag:s6] =	ssyncadd.s32 $0xFFFFFFA0  }
0x21: {  	[tilespmem:s8], [sflag:$0x2] =	stream.linear.gather [hbm4b:s0+s3], $0x60, $0x38;
	[tilespmem:$0x12200] =	vst v63  }
0x22: {  	_ =	swait.ge [sflag:s6], $0x60  }
0x23: {  	s0 =	rddreg [dreg:$0x5];
	[sflag:s6] =	ssyncset.done $0x0  }
0x24: {  	s8 =	rddreg [dreg:$0x8];
	[sflag:s6] =	ssyncadd.s32 $0xFFFFFFA0  }
0x25: {  	[tilespmem:s8], [sflag:$0x2] =	stream.linear.gather [hbm4b:s0+s3], $0x60, $0x38;
	[tilespmem:$0x12200] =	vst v63  }
0x26: {  	_ =	swait.ge [sflag:s6], $0x60  }
0x27: {  	[sflag:s6] =	ssyncset.done $0x0  }
0x28: {  	[sflag:s6] =	ssyncadd.s32 $0xFFFFFFA0  }
0x29: {  	v3 =	vld [tilespmem:$0x0];
	_ =	sdelay $0x4  }
0x2a: {  	v4 =	vshll.u32 v3, $0x1  }
0x2b: {  	v3 =	vand.u32 $0x7, v3;
	v4 =	vand.u32 $0xFFFFFFF0, v4  }
0x2c: {  	v3 =	vor.u32 v3, v4  }
0x2d: {  	v4 =	vperm.xlane v3, v0;
	_ =	sdelay $0x1  }
0x2e: {  	v3 =	vperm.xlane v3, v2;
	v4 =	vadd.s32 v1, v4;
	_ =	sdelay $0x1  }
0x2f: {  	v3 =	vadd.s32 v1, v3;
	_ =	sdelay $0x2  }
0x30: {  	[tilespmem:s7], [sflag:$0x1] =	stream.indirect_vreg.gather [hbm4b:s2+s3], $0x80, v4, vm0, $0xb8;
	[tilespmem:$0x12200] =	vst v63  }
0x31: {  	s8 =	rddreg [dreg:$0x9]  }
0x32: {  	[tilespmem:s8], [sflag:$0x1] =	stream.indirect_vreg.gather [hbm4b:s2+s3], $0x80, v3, vm0, $0xb8;
	[tilespmem:$0x12200] =	vst v63  }
0x33: {  	v3 =	vld [tilespmem:$0x10];
	_ =	sdelay $0x4  }
0x34: {  	v47 =	vshll.u32 v3, $0x1  }
0x35: {  	v3 =	vand.u32 $0x7, v3;
	v4 =	vand.u32 $0xFFFFFFF0, v47  }
0x36: {  	v3 =	vor.u32 v3, v4  }
0x37: {  	v4 =	vperm.xlane v3, v0;
	_ =	sdelay $0x1  }
0x38: {  	v3 =	vperm.xlane v3, v2;
	v4 =	vadd.s32 v1, v4;
	_ =	sdelay $0x1  }
0x39: {  	v3 =	vadd.s32 v1, v3;
	_ =	sdelay $0x1  }
0x3a: {  	s0 =	rddreg [dreg:$0xa]  }
0x3b: {  	[tilespmem:s0], [sflag:$0x1] =	stream.indirect_vreg.gather [hbm4b:s2+s3], $0x80, v4, vm0, $0xb8;
	[tilespmem:$0x12200] =	vst v63  }
0x3c: {  	s8 =	rddreg [dreg:$0xb]  }
0x3d: {  	[tilespmem:s8], [sflag:$0x1] =	stream.indirect_vreg.gather [hbm4b:s2+s3], $0x80, v3, vm0, $0xb8;
	[tilespmem:$0x12200] =	vst v63  }
0x3e: {  	v3 =	vld [tilespmem:$0x20];
	_ =	sdelay $0x4  }
0x3f: {  	v48 =	vshll.u32 v3, $0x1  }
0x40: {  	v3 =	vand.u32 $0x7, v3;
	v4 =	vand.u32 $0xFFFFFFF0, v48  }
0x41: {  	v3 =	vor.u32 v3, v4  }
0x42: {  	v4 =	vperm.xlane v3, v0;
	_ =	sdelay $0x1  }
0x43: {  	v3 =	vperm.xlane v3, v2;
	v4 =	vadd.s32 v1, v4;
	_ =	sdelay $0x1  }
0x44: {  	v3 =	vadd.s32 v1, v3;
	_ =	sdelay $0x1  }
0x45: {  	s0 =	rddreg [dreg:$0xc]  }
0x46: {  	[tilespmem:s0], [sflag:$0x1] =	stream.indirect_vreg.gather [hbm4b:s2+s3], $0x80, v4, vm0, $0xb8;
	[tilespmem:$0x12200] =	vst v63  }
0x47: {  	s8 =	rddreg [dreg:$0xd]  }
0x48: {  	[tilespmem:s8], [sflag:$0x1] =	stream.indirect_vreg.gather [hbm4b:s2+s3], $0x80, v3, vm0, $0xb8;
	[tilespmem:$0x12200] =	vst v63  }
0x49: {  	v3 =	vld [tilespmem:$0x30];
	_ =	sdelay $0x4  }
0x4a: {  	v49 =	vshll.u32 v3, $0x1  }
0x4b: {  	v3 =	vand.u32 $0x7, v3;
	v4 =	vand.u32 $0xFFFFFFF0, v49  }
0x4c: {  	v3 =	vor.u32 v3, v4  }
0x4d: {  	v4 =	vperm.xlane v3, v0;
	_ =	sdelay $0x1  }
0x4e: {  	v3 =	vperm.xlane v3, v2;
	v4 =	vadd.s32 v1, v4;
	_ =	sdelay $0x1  }
0x4f: {  	v3 =	vadd.s32 v1, v3;
	_ =	sdelay $0x1  }
0x50: {  	s0 =	rddreg [dreg:$0xe]  }
0x51: {  	[tilespmem:s0], [sflag:$0x1] =	stream.indirect_vreg.gather [hbm4b:s2+s3], $0x80, v4, vm0, $0xb8;
	[tilespmem:$0x12200] =	vst v63  }
0x52: {  	s8 =	rddreg [dreg:$0xf]  }
0x53: {  	[tilespmem:s8], [sflag:$0x1] =	stream.indirect_vreg.gather [hbm4b:s2+s3], $0x80, v3, vm0, $0xb8;
	[tilespmem:$0x12200] =	vst v63  }
0x54: {  	v3 =	vld [tilespmem:$0x40];
	_ =	sdelay $0x4  }
0x55: {  	v50 =	vshll.u32 v3, $0x1  }
0x56: {  	v3 =	vand.u32 $0x7, v3;
	v4 =	vand.u32 $0xFFFFFFF0, v50  }
0x57: {  	v3 =	vor.u32 v3, v4  }
0x58: {  	v4 =	vperm.xlane v3, v0;
	_ =	sdelay $0x1  }
0x59: {  	v3 =	vperm.xlane v3, v2;
	v4 =	vadd.s32 v1, v4;
	_ =	sdelay $0x1  }
0x5a: {  	v3 =	vadd.s32 v1, v3;
	_ =	sdelay $0x1  }
0x5b: {  	s0 =	rddreg [dreg:$0x10]  }
0x5c: {  	[tilespmem:s0], [sflag:$0x1] =	stream.indirect_vreg.gather [hbm4b:s2+s3], $0x80, v4, vm0, $0xb8;
	[tilespmem:$0x12200] =	vst v63  }
0x5d: {  	s8 =	rddreg [dreg:$0x11]  }
0x5e: {  	[tilespmem:s8], [sflag:$0x1] =	stream.indirect_vreg.gather [hbm4b:s2+s3], $0x80, v3, vm0, $0xb8;
	[tilespmem:$0x12200] =	vst v63  }
0x5f: {  	v3 =	vld [tilespmem:$0x50];
	_ =	sdelay $0x4  }
0x60: {  	v51 =	vshll.u32 v3, $0x1  }
0x61: {  	v3 =	vand.u32 $0x7, v3;
	v4 =	vand.u32 $0xFFFFFFF0, v51  }
0x62: {  	v3 =	vor.u32 v3, v4  }
0x63: {  	v4 =	vperm.xlane v3, v0;
	_ =	sdelay $0x1  }
0x64: {  	v3 =	vperm.xlane v3, v2;
	v4 =	vadd.s32 v1, v4;
	_ =	sdelay $0x1  }
0x65: {  	v3 =	vadd.s32 v1, v3;
	_ =	sdelay $0x1  }
0x66: {  	s0 =	rddreg [dreg:$0x12]  }
0x67: {  	[tilespmem:s0], [sflag:$0x1] =	stream.indirect_vreg.gather [hbm4b:s2+s3], $0x80, v4, vm0, $0xb8;
	[tilespmem:$0x12200] =	vst v63  }
0x68: {  	s8 =	rddreg [dreg:$0x13]  }
0x69: {  	[tilespmem:s8], [sflag:$0x1] =	stream.indirect_vreg.gather [hbm4b:s2+s3], $0x80, v3, vm0, $0xb8;
	[tilespmem:$0x12200] =	vst v63  }
0x6a: {  	v3 =	vld [tilespmem:$0x80];
	_ =	sdelay $0x4  }
0x6b: {  	v52 =	vshll.u32 v3, $0x1  }
0x6c: {  	v3 =	vand.u32 $0x7, v3;
	v4 =	vand.u32 $0xFFFFFFF0, v52  }
0x6d: {  	v3 =	vor.u32 v3, v4  }
0x6e: {  	v4 =	vperm.xlane v3, v0;
	_ =	sdelay $0x1  }
0x6f: {  	v3 =	vperm.xlane v3, v2;
	v4 =	vadd.s32 v1, v4;
	_ =	sdelay $0x1  }
0x70: {  	v3 =	vadd.s32 v1, v3;
	_ =	sdelay $0x1  }
0x71: {  	s8 =	rddreg [dreg:$0x14]  }
0x72: {  	[tilespmem:s8], [sflag:$0x1] =	stream.indirect_vreg.gather [hbm4b:s2+s3], $0x80, v4, vm0, $0xb8;
	[tilespmem:$0x12200] =	vst v63  }
0x73: {  	s8 =	simm.s32 $0x6A00  }
0x74: {  	[tilespmem:s8], [sflag:$0x1] =	stream.indirect_vreg.gather [hbm4b:s2+s3], $0x80, v3, vm0, $0xb8;
	[tilespmem:$0x12200] =	vst v63  }
0x75: {  	v3 =	vld [tilespmem:$0x90];
	_ =	sdelay $0x4  }
0x76: {  	v53 =	vshll.u32 v3, $0x1  }
0x77: {  	v3 =	vand.u32 $0x7, v3;
	v4 =	vand.u32 $0xFFFFFFF0, v53  }
0x78: {  	v3 =	vor.u32 v3, v4  }
0x79: {  	v4 =	vperm.xlane v3, v0;
	_ =	sdelay $0x1  }
0x7a: {  	v3 =	vperm.xlane v3, v2;
	v4 =	vadd.s32 v1, v4;
	_ =	sdelay $0x1  }
0x7b: {  	v3 =	vadd.s32 v1, v3;
	_ =	sdelay $0x2  }
0x7c: {  	[tilespmem:s9], [sflag:$0x1] =	stream.indirect_vreg.gather [hbm4b:s2+s3], $0x80, v4, vm0, $0xb8;
	[tilespmem:$0x12200] =	vst v63  }
0x7d: {  	_ = 	snop  }
0x7e: {  	[tilespmem:s10], [sflag:$0x1] =	stream.indirect_vreg.gather [hbm4b:s2+s3], $0x80, v3, vm0, $0xb8;
	[tilespmem:$0x12200] =	vst v63  }
0x7f: {  	v3 =	vld [tilespmem:$0xA0];
	_ =	sdelay $0x4  }
0x80: {  	v54 =	vshll.u32 v3, $0x1  }
0x81: {  	v3 =	vand.u32 $0x7, v3;
	v4 =	vand.u32 $0xFFFFFFF0, v54  }
0x82: {  	v3 =	vor.u32 v3, v4  }
0x83: {  	v4 =	vperm.xlane v3, v0;
	_ =	sdelay $0x1  }
0x84: {  	v3 =	vperm.xlane v3, v2;
	v4 =	vadd.s32 v1, v4;
	_ =	sdelay $0x1  }
0x85: {  	v3 =	vadd.s32 v1, v3;
	_ =	sdelay $0x2  }
0x86: {  	[tilespmem:s11], [sflag:$0x1] =	stream.indirect_vreg.gather [hbm4b:s2+s3], $0x80, v4, vm0, $0xb8;
	[tilespmem:$0x12200] =	vst v63  }
0x87: {  	_ = 	snop  }
0x88: {  	[tilespmem:s12], [sflag:$0x1] =	stream.indirect_vreg.gather [hbm4b:s2+s3], $0x80, v3, vm0, $0xb8;
	[tilespmem:$0x12200] =	vst v63  }
0x89: {  	v3 =	vld [tilespmem:$0xB0];
	_ =	sdelay $0x4  }
0x8a: {  	v55 =	vshll.u32 v3, $0x1  }
0x8b: {  	v3 =	vand.u32 $0x7, v3;
	v4 =	vand.u32 $0xFFFFFFF0, v55  }
0x8c: {  	v3 =	vor.u32 v3, v4  }
0x8d: {  	v4 =	vperm.xlane v3, v0;
	_ =	sdelay $0x1  }
0x8e: {  	v3 =	vperm.xlane v3, v2;
	v4 =	vadd.s32 v1, v4;
	_ =	sdelay $0x1  }
0x8f: {  	v3 =	vadd.s32 v1, v3;
	_ =	sdelay $0x2  }
0x90: {  	[tilespmem:s13], [sflag:$0x1] =	stream.indirect_vreg.gather [hbm4b:s2+s3], $0x80, v4, vm0, $0xb8;
	[tilespmem:$0x12200] =	vst v63  }
0x91: {  	_ = 	snop  }
0x92: {  	[tilespmem:s14], [sflag:$0x1] =	stream.indirect_vreg.gather [hbm4b:s2+s3], $0x80, v3, vm0, $0xb8;
	[tilespmem:$0x12200] =	vst v63  }
0x93: {  	v3 =	vld [tilespmem:$0xC0];
	_ =	sdelay $0x4  }
0x94: {  	v56 =	vshll.u32 v3, $0x1  }
0x95: {  	v3 =	vand.u32 $0x7, v3;
	v4 =	vand.u32 $0xFFFFFFF0, v56  }
0x96: {  	v3 =	vor.u32 v3, v4  }
0x97: {  	v4 =	vperm.xlane v3, v0;
	_ =	sdelay $0x1  }
0x98: {  	v3 =	vperm.xlane v3, v2;
	v4 =	vadd.s32 v1, v4;
	_ =	sdelay $0x1  }
0x99: {  	v3 =	vadd.s32 v1, v3;
	_ =	sdelay $0x2  }
0x9a: {  	[tilespmem:s15], [sflag:$0x1] =	stream.indirect_vreg.gather [hbm4b:s2+s3], $0x80, v4, vm0, $0xb8;
	[tilespmem:$0x12200] =	vst v63  }
0x9b: {  	_ = 	snop  }
0x9c: {  	[tilespmem:s16], [sflag:$0x1] =	stream.indirect_vreg.gather [hbm4b:s2+s3], $0x80, v3, vm0, $0xb8;
	[tilespmem:$0x12200] =	vst v63  }
0x9d: {  	v3 =	vld [tilespmem:$0xD0];
	_ =	sdelay $0x4  }
0x9e: {  	v57 =	vshll.u32 v3, $0x1  }
0x9f: {  	v3 =	vand.u32 $0x7, v3;
	v4 =	vand.u32 $0xFFFFFFF0, v57  }
0xa0: {  	v3 =	vor.u32 v3, v4  }
0xa1: {  	v4 =	vperm.xlane v3, v0;
	_ =	sdelay $0x1  }
0xa2: {  	v3 =	vperm.xlane v3, v2;
	v4 =	vadd.s32 v1, v4;
	_ =	sdelay $0x1  }
0xa3: {  	v3 =	vadd.s32 v1, v3;
	_ =	sdelay $0x2  }
0xa4: {  	[tilespmem:s17], [sflag:$0x1] =	stream.indirect_vreg.gather [hbm4b:s2+s3], $0x80, v4, vm0, $0xb8;
	[tilespmem:$0x12200] =	vst v63  }
0xa5: {  	_ = 	snop  }
0xa6: {  	[tilespmem:s18], [sflag:$0x1] =	stream.indirect_vreg.gather [hbm4b:s2+s3], $0x80, v3, vm0, $0xb8;
	[tilespmem:$0x12200] =	vst v63  }
0xa7: {  	v3 =	vld [tilespmem:$0x100];
	_ =	sdelay $0x4  }
0xa8: {  	v58 =	vshll.u32 v3, $0x1  }
0xa9: {  	v3 =	vand.u32 $0x7, v3;
	v4 =	vand.u32 $0xFFFFFFF0, v58  }
0xaa: {  	v3 =	vor.u32 v3, v4  }
0xab: {  	v4 =	vperm.xlane v3, v0;
	_ =	sdelay $0x1  }
0xac: {  	v3 =	vperm.xlane v3, v2;
	v4 =	vadd.s32 v1, v4;
	_ =	sdelay $0x1  }
0xad: {  	v3 =	vadd.s32 v1, v3;
	_ =	sdelay $0x2  }
0xae: {  	[tilespmem:s19], [sflag:$0x1] =	stream.indirect_vreg.gather [hbm4b:s2+s3], $0x80, v4, vm0, $0xb8;
	[tilespmem:$0x12200] =	vst v63  }
0xaf: {  	_ = 	snop  }
0xb0: {  	[tilespmem:s20], [sflag:$0x1] =	stream.indirect_vreg.gather [hbm4b:s2+s3], $0x80, v3, vm0, $0xb8;
	[tilespmem:$0x12200] =	vst v63  }
0xb1: {  	v3 =	vld [tilespmem:$0x110];
	_ =	sdelay $0x4  }
0xb2: {  	v59 =	vshll.u32 v3, $0x1  }
0xb3: {  	v3 =	vand.u32 $0x7, v3;
	v4 =	vand.u32 $0xFFFFFFF0, v59  }
0xb4: {  	v3 =	vor.u32 v3, v4  }
0xb5: {  	v4 =	vperm.xlane v3, v0;
	_ =	sdelay $0x1  }
0xb6: {  	v3 =	vperm.xlane v3, v2;
	v4 =	vadd.s32 v1, v4;
	_ =	sdelay $0x1  }
0xb7: {  	v3 =	vadd.s32 v1, v3;
	_ =	sdelay $0x2  }
0xb8: {  	[tilespmem:s21], [sflag:$0x1] =	stream.indirect_vreg.gather [hbm4b:s2+s3], $0x80, v4, vm0, $0xb8;
	[tilespmem:$0x12200] =	vst v63  }
0xb9: {  	_ = 	snop  }
0xba: {  	[tilespmem:s22], [sflag:$0x1] =	stream.indirect_vreg.gather [hbm4b:s2+s3], $0x80, v3, vm0, $0xb8;
	[tilespmem:$0x12200] =	vst v63  }
0xbb: {  	v3 =	vld [tilespmem:$0x120];
	_ =	sdelay $0x4  }
0xbc: {  	v60 =	vshll.u32 v3, $0x1  }
0xbd: {  	v3 =	vand.u32 $0x7, v3;
	v4 =	vand.u32 $0xFFFFFFF0, v60  }
0xbe: {  	v3 =	vor.u32 v3, v4  }
0xbf: {  	v4 =	vperm.xlane v3, v0;
	_ =	sdelay $0x1  }
0xc0: {  	v3 =	vperm.xlane v3, v2;
	v4 =	vadd.s32 v1, v4;
	_ =	sdelay $0x1  }
0xc1: {  	v3 =	vadd.s32 v1, v3;
	_ =	sdelay $0x2  }
0xc2: {  	[tilespmem:s23], [sflag:$0x1] =	stream.indirect_vreg.gather [hbm4b:s2+s3], $0x80, v4, vm0, $0xb8;
	[tilespmem:$0x12200] =	vst v63  }
0xc3: {  	_ = 	snop  }
0xc4: {  	[tilespmem:s24], [sflag:$0x1] =	stream.indirect_vreg.gather [hbm4b:s2+s3], $0x80, v3, vm0, $0xb8;
	[tilespmem:$0x12200] =	vst v63  }
0xc5: {  	v3 =	vld [tilespmem:$0x130];
	_ =	sdelay $0x4  }
0xc6: {  	v61 =	vshll.u32 v3, $0x1  }
0xc7: {  	v3 =	vand.u32 $0x7, v3;
	v4 =	vand.u32 $0xFFFFFFF0, v61  }
0xc8: {  	v3 =	vor.u32 v3, v4  }
0xc9: {  	v4 =	vperm.xlane v3, v0;
	_ =	sdelay $0x1  }
0xca: {  	v3 =	vperm.xlane v3, v2;
	v4 =	vadd.s32 v1, v4;
	_ =	sdelay $0x1  }
0xcb: {  	v3 =	vadd.s32 v1, v3;
	_ =	sdelay $0x2  }
0xcc: {  	[tilespmem:s25], [sflag:$0x1] =	stream.indirect_vreg.gather [hbm4b:s2+s3], $0x80, v4, vm0, $0xb8;
	[tilespmem:$0x12200] =	vst v63  }
0xcd: {  	_ = 	snop  }
0xce: {  	[tilespmem:s26], [sflag:$0x1] =	stream.indirect_vreg.gather [hbm4b:s2+s3], $0x80, v3, vm0, $0xb8;
	[tilespmem:$0x12200] =	vst v63  }
0xcf: {  	v3 =	vld [tilespmem:$0x140];
	_ =	sdelay $0x4  }
0xd0: {  	v62 =	vshll.u32 v3, $0x1  }
0xd1: {  	v3 =	vand.u32 $0x7, v3;
	v4 =	vand.u32 $0xFFFFFFF0, v62  }
0xd2: {  	v3 =	vor.u32 v3, v4  }
0xd3: {  	v4 =	vperm.xlane v3, v0;
	_ =	sdelay $0x1  }
0xd4: {  	v3 =	vperm.xlane v3, v2;
	v4 =	vadd.s32 v1, v4;
	_ =	sdelay $0x1  }
0xd5: {  	v3 =	vadd.s32 v1, v3;
	_ =	sdelay $0x2  }
0xd6: {  	[tilespmem:s28], [sflag:$0x1] =	stream.indirect_vreg.gather [hbm4b:s2+s3], $0x80, v4, vm0, $0xb8;
	[tilespmem:$0x12200] =	vst v63  }
0xd7: {  	_ = 	snop  }
0xd8: {  	[tilespmem:s29], [sflag:$0x1] =	stream.indirect_vreg.gather [hbm4b:s2+s3], $0x80, v3, vm0, $0xb8;
	[tilespmem:$0x12200] =	vst v63  }
0xd9: {  	v3 =	vld [tilespmem:$0x150];
	_ =	sdelay $0x4  }
0xda: {  	v63 =	vshll.u32 v3, $0x1  }
0xdb: {  	v3 =	vand.u32 $0x7, v3;
	v4 =	vand.u32 $0xFFFFFFF0, v63  }
0xdc: {  	v3 =	vor.u32 v3, v4  }
0xdd: {  	v4 =	vperm.xlane v3, v0;
	_ =	sdelay $0x1  }
0xde: {  	v3 =	vperm.xlane v3, v2;
	v4 =	vadd.s32 v1, v4;
	_ =	sdelay $0x1  }
0xdf: {  	v3 =	vadd.s32 v1, v3;
	_ =	sdelay $0x2  }
0xe0: {  	[tilespmem:s30], [sflag:$0x1] =	stream.indirect_vreg.gather [hbm4b:s2+s3], $0x80, v4, vm0, $0xb8;
	[tilespmem:$0x12200] =	vst v63  }
0xe1: {  	_ = 	snop  }
0xe2: {  	[tilespmem:s31], [sflag:$0x1] =	stream.indirect_vreg.gather [hbm4b:s2+s3], $0x80, v3, vm0, $0xb8;
	[tilespmem:$0x12200] =	vst v63  }
0xe3: {  	_ =	swait.ge [sflag:s1], $0x6000  }
0xe4: {  	[sflag:s1] =	ssyncset.done $0x0  }
0xe5: {  	[sflag:s1] =	ssyncadd.s32 $0xFFFFA000  }
0xe6: {  	_ =	swait.ge [sflag:s1], $0x6000  }
0xe7: {  	[sflag:s1] =	ssyncset.done $0x0  }
0xe8: {  	[sflag:s1] =	ssyncadd.s32 $0xFFFFA000  }
0xe9: {  	_ =	swait.ge [sflag:s1], $0x6000  }
0xea: {  	p0 =	sne.s32 s5, $0x1;
	[sflag:s1] =	ssyncset.done $0x0  }
.Ltmp0:
0xeb: {  	s8 =	rddreg [dreg:$0x6];
	[sflag:s1] =	ssyncadd.s32 $0xFFFFA000;
	(pc) =	sbr.rel @p0 .LBB2_1-.Ltmp0, $4  }
0xec: {  	[hbm4b:s8+s3] =	stream.linear.scatter [tilespmem:s7], [sflag:$0x2], $0x12000, $0x38;
	[tilespmem:$0x12200] =	vst v63  }
0xed: {  	_ =	swait.ge [sflag:s6], $0x12000  }
0xee: {  	[sflag:s6] =	ssyncset.done $0x0  }
0xef: {  	s5 =	sadd.s32 $0xFFFFFFFF, s5;
	[sflag:s6] =	ssyncadd.s32 $0xFFFEE000  }
0xf0: {  	_ =	sfence.sel $0x180000  }
0xf1: {  	[bflag:$0x0] =	sbarrier.arrive $0xFFFF  }
0xf2: {  	_ =	strace $0x90000047  }
0xf3: {  	s0 =	stileid.u32;
	[bflag:$0x2] =	sbarrier.arrive $0xFFFF  }
0xf4: {  	p0 =	sne.s32 s0, $0x0;
	s0 =	rddreg [dreg:$0x3]  }
0xf5: {  	s0 =	sadd.s32 @!p0 $0x100000, s0  }
0xf6: {  	[sflag:s0] =	ssyncadd.tile.s32 @!p0 $0x1;
	_ =	shalt  }
.Lfunc_end2:
_tile_overlayer_lowered:
.L_overlay_start_2:
0xf7: {  	(tag) =	ssettag $0x2  }
0xf8: {  	s0 =	rddreg [dreg:$0x0];
	s2 =	stileid.u32  }
0xf9: {  	s1 =	rddreg [dreg:$0x1];
	p0 =	sne.s32 s2, $0x0  }
0xfa: {  	s3 =	rddreg [dreg:$0x2];
	[bflag:$0x3] =	sbarrier.arrive $0xFFFF;
	s2 =	simm.s32 @!p0 $0x1C02  }
0xfb: {  	[timem:s3], [sflag:s2] =	dma.local @!p0 [hbm:s0], s1  }
0xfc: {  	s0 =	simm.s32 @!p0 $0x2  }
0xfd: {  	_ =	swait.ge @!p0 [sflag:s0], s1  }
0xfe: {  	s1 =	ssub.s32 @!p0 $0x0, s1;
	[sflag:s0] =	ssyncset.done @!p0 $0x0  }
0xff: {  	[sflag:s0] =	ssyncadd.s32 @!p0 s1  }
0x100: {  	[bflag:$0x3] =	sbarrier.arrive $0xFFFF  }
0x101: {  	_ =	shalt  }

</sc_bundles>
